<compile_context>
chip_gen: v7x
topology: tpu7x:2x2x1
jax: 0.10.2.dev20260603
libtpu: 0.0.44.dev20260713+nightly
codegen_flags: <defaults>
</compile_context>

<pallas_src>
import jax
import jax.numpy as jnp
from jax import lax
from jax.experimental import pallas as pl
from jax.experimental.pallas import tpu as pltpu
from jax.experimental.pallas import tpu_sc as plsc

_STEPS = 3
_L = 16


def _brain_body(x_hbm, w_hbm, b_hbm, out_hbm, v_ref, w_ref, b_ref, o_ref,
                sem_x, sem_w, sem_b):
    cid = lax.axis_index("c")
    sid = lax.axis_index("s")

    @pl.when(jnp.logical_and(cid == 0, sid == 0))
    def _run():
        zeros = jnp.zeros((_L,), jnp.float32)
        v_ref[pl.ds(0, _L)] = zeros
        v_ref[pl.ds(_L, _L)] = zeros
        w_ref[pl.ds(4 * _L, _L)] = zeros
        b_ref[...] = zeros
        cp_x = pltpu.async_copy(x_hbm, v_ref.at[pl.ds(0, 5)], sem_x)
        cp_w = pltpu.async_copy(w_hbm, w_ref.at[pl.ds(0, 75)], sem_w)
        cp_b = pltpu.async_copy(b_hbm, b_ref.at[pl.ds(0, 15)], sem_b)
        lane = lax.iota(jnp.int32, _L)
        lane2 = jnp.minimum(lane, 14)
        grp = lane2 // 5
        rem = lane2 % 5
        hid = lane < 10
        src = [grp * 5 + k for k in range(5)]
        cp_w.wait()
        cp_b.wait()
        cp_x.wait()
        wk = [plsc.load_gather(w_ref, [grp * 25 + rem + 5 * k]) for k in range(5)]
        bias = b_ref[...]
        res = zeros
        for step in range(_STEPS):
            acc = bias
            for k in range(5):
                acc = acc + wk[k] * plsc.load_gather(v_ref, [src[k]])
            e = jnp.exp(-2.0 * jnp.abs(acc))
            th = jnp.sign(acc) * (1.0 - e) / (1.0 + e)
            res = jnp.where(hid, th, acc)
            if step < _STEPS - 1:
                v_ref[pl.ds(0, _L)] = zeros
                v_ref[pl.ds(_L, _L)] = zeros
                plsc.store_scatter(v_ref, [lane + 5], res)
        oidx = jnp.where(lane >= 10, lane - 10, lane + 6)
        plsc.store_scatter(o_ref, [oidx], res)
        pltpu.sync_copy(o_ref.at[pl.ds(0, 5)], out_hbm)


def _brain_sc(x, w, b):
    mesh = plsc.VectorSubcoreMesh(core_axis_name="c", subcore_axis_name="s",
                                  num_cores=1, num_subcores=1)
    return pl.kernel(
        _brain_body,
        out_type=jax.ShapeDtypeStruct((5,), jnp.float32),
        mesh=mesh,
        scratch_types=[
            pltpu.VMEM((2 * _L,), jnp.float32),
            pltpu.VMEM((5 * _L,), jnp.float32),
            pltpu.VMEM((_L,), jnp.float32),
            pltpu.VMEM((_L,), jnp.float32),
            pltpu.SemaphoreType.DMA,
            pltpu.SemaphoreType.DMA,
            pltpu.SemaphoreType.DMA,
        ],
        compiler_params=pltpu.CompilerParams(needs_layout_passes=False),
    )(x, w, b)


def kernel(x, synapse_weights, neuron_biases, synapse_indices):
    del synapse_indices
    return _brain_sc(x.reshape(-1).astype(jnp.float32),
                     synapse_weights.astype(jnp.float32),
                     neuron_biases.astype(jnp.float32))

# --- scband reference (transcript-rebuilt; emitter-appended) ---
"""Pipeline reference for scband-brain-25288767439639 (READ-ONLY COPY).

The authoritative reference and input builder live on the scoring server;
editing this copy changes nothing except your own understanding.
"""

import jax, jax.numpy as jnp
import numpy as np

NEURON_COUNT = 20
INPUT_SIZE = 5
OUTPUT_SIZE = 5
HIDDEN_NEURONS_LAYOUT = [5, 5]
STEPS = 3


def _build_structure():
    idx = 0
    input_indices = np.arange(idx, idx + INPUT_SIZE); idx += INPUT_SIZE
    hidden = []
    for s in HIDDEN_NEURONS_LAYOUT:
        hidden.append(np.arange(idx, idx + s)); idx += s
    output_indices = np.arange(idx, idx + OUTPUT_SIZE)
    conns = []
    for i in input_indices:
        for j in hidden[0]:
            conns.append([i, j])
    for h1, h2 in zip(hidden[:-1], hidden[1:]):
        for i in h1:
            for j in h2:
                conns.append([i, j])
    for i in hidden[-1]:
        for j in output_indices:
            conns.append([i, j])
    syn = np.array(conns, dtype=np.int32).T  # [2, E]
    return input_indices, output_indices, syn


def setup_inputs(seed: int = 0) -> dict:
    key = jax.random.key(seed)
    k1, k2, k3 = jax.random.split(key, 3)
    inp_idx, out_idx, syn = _build_structure()
    x = jax.random.normal(k1, (INPUT_SIZE,), dtype=jnp.float32)
    synapse_weights = jax.random.normal(k2, (syn.shape[1],), dtype=jnp.float32)
    neuron_biases = jax.random.normal(k3, (NEURON_COUNT - INPUT_SIZE,), dtype=jnp.float32)
    return {
        "x": x,
        "synapse_weights": synapse_weights,
        "neuron_biases": neuron_biases,
        "synapse_indices": jnp.asarray(syn, dtype=jnp.int32),
    }


def reference(x, synapse_weights, neuron_biases, synapse_indices):
    inp_idx, out_idx, _ = _build_structure()
    non_input_mask = np.ones(NEURON_COUNT, dtype=bool)
    non_input_mask[inp_idx] = False
    non_input_positions = jnp.asarray(np.where(non_input_mask)[0], dtype=jnp.int32)
    tanh_mask = np.ones(NEURON_COUNT, dtype=bool)
    tanh_mask[out_idx] = False
    tanh_mask = jnp.asarray(tanh_mask)
    src = synapse_indices[0]
    dst = synapse_indices[1]
    # neuron_values initialized to zero, inputs overwritten with x
    values = jnp.zeros(NEURON_COUNT, dtype=jnp.float32).at[jnp.asarray(inp_idx, dtype=jnp.int32)].set(x.reshape(-1))
    for _ in range(STEPS):
        # scatter-add message passing: next[to] += values[from] * w
        contrib = values[src] * synapse_weights
        nxt = jnp.zeros(NEURON_COUNT, dtype=jnp.float32).at[dst].add(contrib)
        # add biases to non-input neurons
        nxt = nxt.at[non_input_positions].add(neuron_biases)
        # tanh on all non-output neurons
        values = jnp.where(tanh_mask, jnp.tanh(nxt), nxt)
    return values[jnp.asarray(out_idx, dtype=jnp.int32)]

if __name__ == "__main__":
    import jax
    _d = setup_inputs()
    print(jax.jit(kernel)(*tuple(_d.values())))

</pallas_src>

<mosaic_0001>
#map = affine_map<(d0, d1) -> (0)>
module attributes {stable_mosaic.version = 14 : i64} {
  func.func @_brain_body(%arg0: i32, %arg1: i32, %arg2: memref<5xf32, #tpu.memory_space<hbm>>, %arg3: memref<75xf32, #tpu.memory_space<hbm>>, %arg4: memref<15xf32, #tpu.memory_space<hbm>>, %arg5: memref<5xf32, #tpu.memory_space<hbm>>, %arg6: memref<32xf32, #tpu.memory_space<vmem>>, %arg7: memref<80xf32, #tpu.memory_space<vmem>>, %arg8: memref<16xf32, #tpu.memory_space<vmem>>, %arg9: memref<16xf32, #tpu.memory_space<vmem>>, %arg10: memref<!tpu.dma_semaphore, #tpu.memory_space<semaphore_mem>>, %arg11: memref<!tpu.dma_semaphore, #tpu.memory_space<semaphore_mem>>, %arg12: memref<!tpu.dma_semaphore, #tpu.memory_space<semaphore_mem>>) attributes {dimension_semantics = [#tpu.dimension_semantics<core_parallel>, #tpu.dimension_semantics<subcore_parallel>], iteration_bounds = array<i64: 1, 1>, scalar_prefetch = 0 : i64, scratch_operands = 7 : i64, tpu.core_type = #tpu.core_type<sc_vector_subcore>, window_params = [{transform_indices = #map}, {transform_indices = #map}, {transform_indices = #map}, {transform_indices = #map}]} {
    %eq3A = arith.constant 0 : i32
    %eq3A_0 = arith.cmpi eq, %arg0, %eq3A : i32
    %eq3A_1 = arith.constant 0 : i32
    %eq3A_2 = arith.cmpi eq, %arg1, %eq3A_1 : i32
    %and3A = arith.andi %eq3A_0, %eq3A_2 : i1
    %convert_element_type3A = arith.extui %and3A : i1 to i32
    %cond3A = arith.constant 0 : i32
    %cond3A_3 = arith.cmpi ne, %convert_element_type3A, %cond3A : i32
    scf.if %cond3A_3 {
      %broadcast_in_dim3A = arith.constant 0.000000e+00 : f32
      %broadcast_in_dim3A_4 = vector.broadcast %broadcast_in_dim3A : f32 to vector<16xf32>
      %swap3A = arith.constant 0 : index
      %swap3A_5 = tpu.vector_load %arg6[%swap3A] {strides = array<i32>} : memref<32xf32, #tpu.memory_space<vmem>>, vector<16xf32>,
      tpu.vector_store %arg6[%swap3A], %broadcast_in_dim3A_4 {strides = array<i32>} : memref<32xf32, #tpu.memory_space<vmem>>, vector<16xf32>,
      %swap3A_6 = arith.constant 16 : index
      %swap3A_7 = tpu.vector_load %arg6[%swap3A_6] {strides = array<i32>} : memref<32xf32, #tpu.memory_space<vmem>>, vector<16xf32>,
      tpu.vector_store %arg6[%swap3A_6], %broadcast_in_dim3A_4 {strides = array<i32>} : memref<32xf32, #tpu.memory_space<vmem>>, vector<16xf32>,
      %swap3A_8 = arith.constant 64 : index
      %swap3A_9 = tpu.vector_load %arg7[%swap3A_8] {strides = array<i32>} : memref<80xf32, #tpu.memory_space<vmem>>, vector<16xf32>,
      tpu.vector_store %arg7[%swap3A_8], %broadcast_in_dim3A_4 {strides = array<i32>} : memref<80xf32, #tpu.memory_space<vmem>>, vector<16xf32>,
      %swap3A_10 = arith.constant 0 : index
      %swap3A_11 = tpu.vector_load %arg8[%swap3A_10] {strides = array<i32>} : memref<16xf32, #tpu.memory_space<vmem>>, vector<16xf32>,
      tpu.vector_store %arg8[%swap3A_10], %broadcast_in_dim3A_4 {strides = array<i32>} : memref<16xf32, #tpu.memory_space<vmem>>, vector<16xf32>,
      %dma_start3A = arith.constant 0 : i32
      %dma_start3A_12 = tpu.memref_slice %arg6[%dma_start3A] : memref<32xf32, #tpu.memory_space<vmem>> -> memref<5xf32, #tpu.memory_space<vmem>>
      %dma_start3A_13 = arith.constant 0 : i32
      %dma_start3A_14 = tpu.memref_slice %arg6[%dma_start3A_13] : memref<32xf32, #tpu.memory_space<vmem>> -> memref<5xf32, #tpu.memory_space<vmem>>
      tpu.enqueue_dma source(%arg2 : memref<5xf32, #tpu.memory_space<hbm>>) target(%dma_start3A_14 : memref<5xf32, #tpu.memory_space<vmem>>) target_semaphore(%arg10 : memref<!tpu.dma_semaphore, #tpu.memory_space<semaphore_mem>>)
      %dma_start3A_15 = arith.constant 0 : i32
      %dma_start3A_16 = tpu.memref_slice %arg7[%dma_start3A_15] : memref<80xf32, #tpu.memory_space<vmem>> -> memref<75xf32, #tpu.memory_space<vmem>>
      %dma_start3A_17 = arith.constant 0 : i32
      %dma_start3A_18 = tpu.memref_slice %arg7[%dma_start3A_17] : memref<80xf32, #tpu.memory_space<vmem>> -> memref<75xf32, #tpu.memory_space<vmem>>
      tpu.enqueue_dma source(%arg3 : memref<75xf32, #tpu.memory_space<hbm>>) target(%dma_start3A_18 : memref<75xf32, #tpu.memory_space<vmem>>) target_semaphore(%arg11 : memref<!tpu.dma_semaphore, #tpu.memory_space<semaphore_mem>>)
      %dma_start3A_19 = arith.constant 0 : i32
      %dma_start3A_20 = tpu.memref_slice %arg8[%dma_start3A_19] : memref<16xf32, #tpu.memory_space<vmem>> -> memref<15xf32, #tpu.memory_space<vmem>>
      %dma_start3A_21 = arith.constant 0 : i32
      %dma_start3A_22 = tpu.memref_slice %arg8[%dma_start3A_21] : memref<16xf32, #tpu.memory_space<vmem>> -> memref<15xf32, #tpu.memory_space<vmem>>
      tpu.enqueue_dma source(%arg4 : memref<15xf32, #tpu.memory_space<hbm>>) target(%dma_start3A_22 : memref<15xf32, #tpu.memory_space<vmem>>) target_semaphore(%arg12 : memref<!tpu.dma_semaphore, #tpu.memory_space<semaphore_mem>>)
      %iota3A = tpu.iota {dimensions = array<i32: 0>} : vector<16xi32>
      %min3A = arith.constant 14 : i32
      %min3A_23 = vector.broadcast %min3A : i32 to vector<16xi32>
      %min3A_24 = arith.minsi %iota3A, %min3A_23 : vector<16xi32>
      %jit3A = arith.constant 5 : i32
      %div3A = vector.broadcast %jit3A : i32 to vector<16xi32>
      %div3A_25 = arith.divsi %min3A_24, %div3A : vector<16xi32>
      %sign3A = arith.constant 0 : i32
      %sign3A_26 = vector.broadcast %sign3A : i32 to vector<16xi32>
      %sign3A_27 = arith.cmpi sgt, %min3A_24, %sign3A_26 : vector<16xi32>
      %sign3A_28 = arith.extui %sign3A_27 : vector<16xi1> to vector<16xi32>
      %sign3A_29 = arith.constant 0 : i32
      %sign3A_30 = vector.broadcast %sign3A_29 : i32 to vector<16xi32>
      %sign3A_31 = arith.cmpi slt, %min3A_24, %sign3A_30 : vector<16xi32>
      %sign3A_32 = arith.extui %sign3A_31 : vector<16xi1> to vector<16xi32>
      %sign3A_33 = arith.subi %sign3A_28, %sign3A_32 : vector<16xi32>
      %sign3A_34 = arith.constant 0 : i32
      %sign3A_35 = arith.cmpi sgt, %jit3A, %sign3A_34 : i32
      %sign3A_36 = arith.extui %sign3A_35 : i1 to i32
      %sign3A_37 = arith.constant 0 : i32
      %sign3A_38 = arith.cmpi slt, %jit3A, %sign3A_37 : i32
      %sign3A_39 = arith.extui %sign3A_38 : i1 to i32
      %sign3A_40 = arith.subi %sign3A_36, %sign3A_39 : i32
      %ne3A = vector.broadcast %sign3A_40 : i32 to vector<16xi32>
      %ne3A_41 = arith.cmpi ne, %sign3A_33, %ne3A : vector<16xi32>
      %rem3A = vector.broadcast %jit3A : i32 to vector<16xi32>
      %rem3A_42 = arith.remsi %min3A_24, %rem3A : vector<16xi32>
      %ne3A_43 = arith.constant 0 : i32
      %ne3A_44 = vector.broadcast %ne3A_43 : i32 to vector<16xi32>
      %ne3A_45 = arith.cmpi ne, %rem3A_42, %ne3A_44 : vector<16xi32>
      %and3A_46 = arith.andi %ne3A_41, %ne3A_45 : vector<16xi1>
      %sub3A = arith.constant 1 : i32
      %sub3A_47 = vector.broadcast %sub3A : i32 to vector<16xi32>
      %sub3A_48 = arith.subi %div3A_25, %sub3A_47 : vector<16xi32>
      %select_n3A = arith.select %and3A_46, %sub3A_48, %div3A_25 : vector<16xi1>, vector<16xi32>
      %jit3A_49 = arith.constant 5 : i32
      %eq3A_50 = arith.constant 0 : i32
      %eq3A_51 = arith.cmpi eq, %jit3A_49, %eq3A_50 : i32
      %jit3A_52 = arith.constant 1 : i32
      %select_n3A_53 = arith.select %eq3A_51, %jit3A_52, %jit3A_49 : i32
      %rem3A_54 = vector.broadcast %select_n3A_53 : i32 to vector<16xi32>
      %rem3A_55 = arith.remsi %min3A_24, %rem3A_54 : vector<16xi32>
      %ne3A_56 = arith.constant 0 : i32
      %ne3A_57 = vector.broadcast %ne3A_56 : i32 to vector<16xi32>
      %ne3A_58 = arith.cmpi ne, %rem3A_55, %ne3A_57 : vector<16xi32>
      %lt3A = arith.constant 0 : i32
      %lt3A_59 = vector.broadcast %lt3A : i32 to vector<16xi32>
      %lt3A_60 = arith.cmpi slt, %rem3A_55, %lt3A_59 : vector<16xi32>
      %lt3A_61 = arith.constant 0 : i32
      %lt3A_62 = arith.cmpi slt, %select_n3A_53, %lt3A_61 : i32
      %ne3A_63 = vector.broadcast %lt3A_62 : i1 to vector<16xi1>
      %ne3A_64 = vector.broadcast %ne3A_63 : vector<16xi1> to vector<16xi1>
      %ne3A_65 = arith.xori %lt3A_60, %ne3A_64 : vector<16xi1>
      %and3A_66 = arith.andi %ne3A_65, %ne3A_58 : vector<16xi1>
      %add3A = vector.broadcast %select_n3A_53 : i32 to vector<16xi32>
      %add3A_67 = arith.addi %rem3A_55, %add3A : vector<16xi32>
      %select_n3A_68 = arith.select %and3A_66, %add3A_67, %rem3A_55 : vector<16xi1>, vector<16xi32>
      %lt3A_69 = arith.constant 10 : i32
      %lt3A_70 = vector.broadcast %lt3A_69 : i32 to vector<16xi32>
      %lt3A_71 = arith.cmpi slt, %iota3A, %lt3A_70 : vector<16xi32>
      %mul3A = arith.constant 5 : i32
      %mul3A_72 = vector.broadcast %mul3A : i32 to vector<16xi32>
      %mul3A_73 = arith.muli %select_n3A, %mul3A_72 : vector<16xi32>
      %add3A_74 = arith.constant 0 : i32
      %add3A_75 = vector.broadcast %add3A_74 : i32 to vector<16xi32>
      %add3A_76 = arith.addi %mul3A_73, %add3A_75 : vector<16xi32>
      %mul3A_77 = arith.constant 5 : i32
      %mul3A_78 = vector.broadcast %mul3A_77 : i32 to vector<16xi32>
      %mul3A_79 = arith.muli %select_n3A, %mul3A_78 : vector<16xi32>
      %add3A_80 = arith.constant 1 : i32
      %add3A_81 = vector.broadcast %add3A_80 : i32 to vector<16xi32>
      %add3A_82 = arith.addi %mul3A_79, %add3A_81 : vector<16xi32>
      %mul3A_83 = arith.constant 5 : i32
      %mul3A_84 = vector.broadcast %mul3A_83 : i32 to vector<16xi32>
      %mul3A_85 = arith.muli %select_n3A, %mul3A_84 : vector<16xi32>
      %add3A_86 = arith.constant 2 : i32
      %add3A_87 = vector.broadcast %add3A_86 : i32 to vector<16xi32>
      %add3A_88 = arith.addi %mul3A_85, %add3A_87 : vector<16xi32>
      %mul3A_89 = arith.constant 5 : i32
      %mul3A_90 = vector.broadcast %mul3A_89 : i32 to vector<16xi32>
      %mul3A_91 = arith.muli %select_n3A, %mul3A_90 : vector<16xi32>
      %add3A_92 = arith.constant 3 : i32
      %add3A_93 = vector.broadcast %add3A_92 : i32 to vector<16xi32>
      %add3A_94 = arith.addi %mul3A_91, %add3A_93 : vector<16xi32>
      %mul3A_95 = arith.constant 5 : i32
      %mul3A_96 = vector.broadcast %mul3A_95 : i32 to vector<16xi32>
      %mul3A_97 = arith.muli %select_n3A, %mul3A_96 : vector<16xi32>
      %add3A_98 = arith.constant 4 : i32
      %add3A_99 = vector.broadcast %add3A_98 : i32 to vector<16xi32>
      %add3A_100 = arith.addi %mul3A_97, %add3A_99 : vector<16xi32>
      %dma_wait3A = arith.constant 0 : i32
      %dma_wait3A_101 = tpu.memref_slice %arg7[%dma_wait3A] : memref<80xf32, #tpu.memory_space<vmem>> -> memref<75xf32, #tpu.memory_space<vmem>>
      %dma_wait3A_102 = arith.constant 0 : i32
      %dma_wait3A_103 = tpu.memref_slice %arg7[%dma_wait3A_102] : memref<80xf32, #tpu.memory_space<vmem>> -> memref<75xf32, #tpu.memory_space<vmem>>
      tpu.wait_dma2 semaphore(%arg11 : memref<!tpu.dma_semaphore, #tpu.memory_space<semaphore_mem>>) src(%arg3 : memref<75xf32, #tpu.memory_space<hbm>>) dst(%dma_wait3A_103 : memref<75xf32, #tpu.memory_space<vmem>>)
      %dma_wait3A_104 = arith.constant 0 : i32
      %dma_wait3A_105 = tpu.memref_slice %arg8[%dma_wait3A_104] : memref<16xf32, #tpu.memory_space<vmem>> -> memref<15xf32, #tpu.memory_space<vmem>>
      %dma_wait3A_106 = arith.constant 0 : i32
      %dma_wait3A_107 = tpu.memref_slice %arg8[%dma_wait3A_106] : memref<16xf32, #tpu.memory_space<vmem>> -> memref<15xf32, #tpu.memory_space<vmem>>
      tpu.wait_dma2 semaphore(%arg12 : memref<!tpu.dma_semaphore, #tpu.memory_space<semaphore_mem>>) src(%arg4 : memref<15xf32, #tpu.memory_space<hbm>>) dst(%dma_wait3A_107 : memref<15xf32, #tpu.memory_space<vmem>>)
      %dma_wait3A_108 = arith.constant 0 : i32
      %dma_wait3A_109 = tpu.memref_slice %arg6[%dma_wait3A_108] : memref<32xf32, #tpu.memory_space<vmem>> -> memref<5xf32, #tpu.memory_space<vmem>>
      %dma_wait3A_110 = arith.constant 0 : i32
      %dma_wait3A_111 = tpu.memref_slice %arg6[%dma_wait3A_110] : memref<32xf32, #tpu.memory_space<vmem>> -> memref<5xf32, #tpu.memory_space<vmem>>
      tpu.wait_dma2 semaphore(%arg10 : memref<!tpu.dma_semaphore, #tpu.memory_space<semaphore_mem>>) src(%arg2 : memref<5xf32, #tpu.memory_space<hbm>>) dst(%dma_wait3A_111 : memref<5xf32, #tpu.memory_space<vmem>>)
      %mul3A_112 = arith.constant 25 : i32
      %mul3A_113 = vector.broadcast %mul3A_112 : i32 to vector<16xi32>
      %mul3A_114 = arith.muli %select_n3A, %mul3A_113 : vector<16xi32>
      %add3A_115 = arith.addi %mul3A_114, %select_n3A_68 : vector<16xi32>
      %add3A_116 = arith.constant 0 : i32
      %add3A_117 = vector.broadcast %add3A_116 : i32 to vector<16xi32>
      %add3A_118 = arith.addi %add3A_115, %add3A_117 : vector<16xi32>
      %gather3A = tpu.vector_load_idx %arg7[%add3A_118] : memref<80xf32, #tpu.memory_space<vmem>>[vector<16xi32>], vector<16xf32>,
      %mul3A_119 = arith.constant 25 : i32
      %mul3A_120 = vector.broadcast %mul3A_119 : i32 to vector<16xi32>
      %mul3A_121 = arith.muli %select_n3A, %mul3A_120 : vector<16xi32>
      %add3A_122 = arith.addi %mul3A_121, %select_n3A_68 : vector<16xi32>
      %add3A_123 = arith.constant 5 : i32
      %add3A_124 = vector.broadcast %add3A_123 : i32 to vector<16xi32>
      %add3A_125 = arith.addi %add3A_122, %add3A_124 : vector<16xi32>
      %gather3A_126 = tpu.vector_load_idx %arg7[%add3A_125] : memref<80xf32, #tpu.memory_space<vmem>>[vector<16xi32>], vector<16xf32>,
      %mul3A_127 = arith.constant 25 : i32
      %mul3A_128 = vector.broadcast %mul3A_127 : i32 to vector<16xi32>
      %mul3A_129 = arith.muli %select_n3A, %mul3A_128 : vector<16xi32>
      %add3A_130 = arith.addi %mul3A_129, %select_n3A_68 : vector<16xi32>
      %add3A_131 = arith.constant 10 : i32
      %add3A_132 = vector.broadcast %add3A_131 : i32 to vector<16xi32>
      %add3A_133 = arith.addi %add3A_130, %add3A_132 : vector<16xi32>
      %gather3A_134 = tpu.vector_load_idx %arg7[%add3A_133] : memref<80xf32, #tpu.memory_space<vmem>>[vector<16xi32>], vector<16xf32>,
      %mul3A_135 = arith.constant 25 : i32
      %mul3A_136 = vector.broadcast %mul3A_135 : i32 to vector<16xi32>
      %mul3A_137 = arith.muli %select_n3A, %mul3A_136 : vector<16xi32>
      %add3A_138 = arith.addi %mul3A_137, %select_n3A_68 : vector<16xi32>
      %add3A_139 = arith.constant 15 : i32
      %add3A_140 = vector.broadcast %add3A_139 : i32 to vector<16xi32>
      %add3A_141 = arith.addi %add3A_138, %add3A_140 : vector<16xi32>
      %gather3A_142 = tpu.vector_load_idx %arg7[%add3A_141] : memref<80xf32, #tpu.memory_space<vmem>>[vector<16xi32>], vector<16xf32>,
      %mul3A_143 = arith.constant 25 : i32
      %mul3A_144 = vector.broadcast %mul3A_143 : i32 to vector<16xi32>
      %mul3A_145 = arith.muli %select_n3A, %mul3A_144 : vector<16xi32>
      %add3A_146 = arith.addi %mul3A_145, %select_n3A_68 : vector<16xi32>
      %add3A_147 = arith.constant 20 : i32
      %add3A_148 = vector.broadcast %add3A_147 : i32 to vector<16xi32>
      %add3A_149 = arith.addi %add3A_146, %add3A_148 : vector<16xi32>
      %gather3A_150 = tpu.vector_load_idx %arg7[%add3A_149] : memref<80xf32, #tpu.memory_space<vmem>>[vector<16xi32>], vector<16xf32>,
      %get3A = arith.constant 0 : index
      %get3A_151 = tpu.vector_load %arg8[%get3A] {strides = array<i32>} : memref<16xf32, #tpu.memory_space<vmem>>, vector<16xf32>,
      %gather3A_152 = tpu.vector_load_idx %arg6[%add3A_76] : memref<32xf32, #tpu.memory_space<vmem>>[vector<16xi32>], vector<16xf32>,
      %mul3A_153 = arith.mulf %gather3A, %gather3A_152 : vector<16xf32>
      %add3A_154 = arith.addf %get3A_151, %mul3A_153 : vector<16xf32>
      %gather3A_155 = tpu.vector_load_idx %arg6[%add3A_82] : memref<32xf32, #tpu.memory_space<vmem>>[vector<16xi32>], vector<16xf32>,
      %mul3A_156 = arith.mulf %gather3A_126, %gather3A_155 : vector<16xf32>
      %add3A_157 = arith.addf %add3A_154, %mul3A_156 : vector<16xf32>
      %gather3A_158 = tpu.vector_load_idx %arg6[%add3A_88] : memref<32xf32, #tpu.memory_space<vmem>>[vector<16xi32>], vector<16xf32>,
      %mul3A_159 = arith.mulf %gather3A_134, %gather3A_158 : vector<16xf32>
      %add3A_160 = arith.addf %add3A_157, %mul3A_159 : vector<16xf32>
      %gather3A_161 = tpu.vector_load_idx %arg6[%add3A_94] : memref<32xf32, #tpu.memory_space<vmem>>[vector<16xi32>], vector<16xf32>,
      %mul3A_162 = arith.mulf %gather3A_142, %gather3A_161 : vector<16xf32>
      %add3A_163 = arith.addf %add3A_160, %mul3A_162 : vector<16xf32>
      %gather3A_164 = tpu.vector_load_idx %arg6[%add3A_100] : memref<32xf32, #tpu.memory_space<vmem>>[vector<16xi32>], vector<16xf32>,
      %mul3A_165 = arith.mulf %gather3A_150, %gather3A_164 : vector<16xf32>
      %add3A_166 = arith.addf %add3A_163, %mul3A_165 : vector<16xf32>
      %abs3A = math.absf %add3A_166 : vector<16xf32>
      %mul3A_167 = arith.constant -2.000000e+00 : f32
      %mul3A_168 = vector.broadcast %mul3A_167 : f32 to vector<16xf32>
      %mul3A_169 = arith.mulf %mul3A_168, %abs3A : vector<16xf32>
      %exp3A = math.exp %mul3A_169 : vector<16xf32>
      %sign3A_170 = tpu.bitcast %add3A_166 : vector<16xf32> -> vector<16xi32>
      %sign3A_171 = arith.constant -2147483648 : i32
      %sign3A_172 = vector.broadcast %sign3A_171 : i32 to vector<16xi32>
      %sign3A_173 = arith.andi %sign3A_170, %sign3A_172 : vector<16xi32>
      %sign3A_174 = arith.constant 1065353216 : i32
      %sign3A_175 = vector.broadcast %sign3A_174 : i32 to vector<16xi32>
      %sign3A_176 = arith.ori %sign3A_175, %sign3A_173 : vector<16xi32>
      %sign3A_177 = tpu.bitcast %sign3A_176 : vector<16xi32> -> vector<16xf32>
      %sign3A_178 = math.absf %add3A_166 : vector<16xf32>
      %sign3A_179 = arith.constant 0.000000e+00 : f32
      %sign3A_180 = vector.broadcast %sign3A_179 : f32 to vector<16xf32>
      %sign3A_181 = arith.cmpf ogt, %sign3A_178, %sign3A_180 : vector<16xf32>
      %sign3A_182 = arith.select %sign3A_181, %sign3A_177, %add3A_166 : vector<16xi1>, vector<16xf32>
      %sub3A_183 = arith.constant 1.000000e+00 : f32
      %sub3A_184 = vector.broadcast %sub3A_183 : f32 to vector<16xf32>
      %sub3A_185 = arith.subf %sub3A_184, %exp3A : vector<16xf32>
      %mul3A_186 = arith.mulf %sign3A_182, %sub3A_185 : vector<16xf32>
      %add3A_187 = arith.constant 1.000000e+00 : f32
      %add3A_188 = vector.broadcast %add3A_187 : f32 to vector<16xf32>
      %add3A_189 = arith.addf %add3A_188, %exp3A : vector<16xf32>
      %div3A_190 = arith.divf %mul3A_186, %add3A_189 : vector<16xf32>
      %select_n3A_191 = arith.select %lt3A_71, %div3A_190, %add3A_166 : vector<16xi1>, vector<16xf32>
      %swap3A_192 = arith.constant 0 : index
      %swap3A_193 = tpu.vector_load %arg6[%swap3A_192] {strides = array<i32>} : memref<32xf32, #tpu.memory_space<vmem>>, vector<16xf32>,
      tpu.vector_store %arg6[%swap3A_192], %broadcast_in_dim3A_4 {strides = array<i32>} : memref<32xf32, #tpu.memory_space<vmem>>, vector<16xf32>,
      %swap3A_194 = arith.constant 16 : index
      %swap3A_195 = tpu.vector_load %arg6[%swap3A_194] {strides = array<i32>} : memref<32xf32, #tpu.memory_space<vmem>>, vector<16xf32>,
      tpu.vector_store %arg6[%swap3A_194], %broadcast_in_dim3A_4 {strides = array<i32>} : memref<32xf32, #tpu.memory_space<vmem>>, vector<16xf32>,
      %add3A_196 = arith.constant 5 : i32
      %add3A_197 = vector.broadcast %add3A_196 : i32 to vector<16xi32>
      %add3A_198 = arith.addi %iota3A, %add3A_197 : vector<16xi32>
      tpu.vector_store_idx %arg6[%add3A_198], %select_n3A_191 : memref<32xf32, #tpu.memory_space<vmem>>[vector<16xi32>], vector<16xf32>,
      %gather3A_199 = tpu.vector_load_idx %arg6[%add3A_76] : memref<32xf32, #tpu.memory_space<vmem>>[vector<16xi32>], vector<16xf32>,
      %mul3A_200 = arith.mulf %gather3A, %gather3A_199 : vector<16xf32>
      %add3A_201 = arith.addf %get3A_151, %mul3A_200 : vector<16xf32>
      %gather3A_202 = tpu.vector_load_idx %arg6[%add3A_82] : memref<32xf32, #tpu.memory_space<vmem>>[vector<16xi32>], vector<16xf32>,
      %mul3A_203 = arith.mulf %gather3A_126, %gather3A_202 : vector<16xf32>
      %add3A_204 = arith.addf %add3A_201, %mul3A_203 : vector<16xf32>
      %gather3A_205 = tpu.vector_load_idx %arg6[%add3A_88] : memref<32xf32, #tpu.memory_space<vmem>>[vector<16xi32>], vector<16xf32>,
      %mul3A_206 = arith.mulf %gather3A_134, %gather3A_205 : vector<16xf32>
      %add3A_207 = arith.addf %add3A_204, %mul3A_206 : vector<16xf32>
      %gather3A_208 = tpu.vector_load_idx %arg6[%add3A_94] : memref<32xf32, #tpu.memory_space<vmem>>[vector<16xi32>], vector<16xf32>,
      %mul3A_209 = arith.mulf %gather3A_142, %gather3A_208 : vector<16xf32>
      %add3A_210 = arith.addf %add3A_207, %mul3A_209 : vector<16xf32>
      %gather3A_211 = tpu.vector_load_idx %arg6[%add3A_100] : memref<32xf32, #tpu.memory_space<vmem>>[vector<16xi32>], vector<16xf32>,
      %mul3A_212 = arith.mulf %gather3A_150, %gather3A_211 : vector<16xf32>
      %add3A_213 = arith.addf %add3A_210, %mul3A_212 : vector<16xf32>
      %abs3A_214 = math.absf %add3A_213 : vector<16xf32>
      %mul3A_215 = arith.constant -2.000000e+00 : f32
      %mul3A_216 = vector.broadcast %mul3A_215 : f32 to vector<16xf32>
      %mul3A_217 = arith.mulf %mul3A_216, %abs3A_214 : vector<16xf32>
      %exp3A_218 = math.exp %mul3A_217 : vector<16xf32>
      %sign3A_219 = tpu.bitcast %add3A_213 : vector<16xf32> -> vector<16xi32>
      %sign3A_220 = arith.constant -2147483648 : i32
      %sign3A_221 = vector.broadcast %sign3A_220 : i32 to vector<16xi32>
      %sign3A_222 = arith.andi %sign3A_219, %sign3A_221 : vector<16xi32>
      %sign3A_223 = arith.constant 1065353216 : i32
      %sign3A_224 = vector.broadcast %sign3A_223 : i32 to vector<16xi32>
      %sign3A_225 = arith.ori %sign3A_224, %sign3A_222 : vector<16xi32>
      %sign3A_226 = tpu.bitcast %sign3A_225 : vector<16xi32> -> vector<16xf32>
      %sign3A_227 = math.absf %add3A_213 : vector<16xf32>
      %sign3A_228 = arith.constant 0.000000e+00 : f32
      %sign3A_229 = vector.broadcast %sign3A_228 : f32 to vector<16xf32>
      %sign3A_230 = arith.cmpf ogt, %sign3A_227, %sign3A_229 : vector<16xf32>
      %sign3A_231 = arith.select %sign3A_230, %sign3A_226, %add3A_213 : vector<16xi1>, vector<16xf32>
      %sub3A_232 = arith.constant 1.000000e+00 : f32
      %sub3A_233 = vector.broadcast %sub3A_232 : f32 to vector<16xf32>
      %sub3A_234 = arith.subf %sub3A_233, %exp3A_218 : vector<16xf32>
      %mul3A_235 = arith.mulf %sign3A_231, %sub3A_234 : vector<16xf32>
      %add3A_236 = arith.constant 1.000000e+00 : f32
      %add3A_237 = vector.broadcast %add3A_236 : f32 to vector<16xf32>
      %add3A_238 = arith.addf %add3A_237, %exp3A_218 : vector<16xf32>
      %div3A_239 = arith.divf %mul3A_235, %add3A_238 : vector<16xf32>
      %select_n3A_240 = arith.select %lt3A_71, %div3A_239, %add3A_213 : vector<16xi1>, vector<16xf32>
      %swap3A_241 = arith.constant 0 : index
      %swap3A_242 = tpu.vector_load %arg6[%swap3A_241] {strides = array<i32>} : memref<32xf32, #tpu.memory_space<vmem>>, vector<16xf32>,
      tpu.vector_store %arg6[%swap3A_241], %broadcast_in_dim3A_4 {strides = array<i32>} : memref<32xf32, #tpu.memory_space<vmem>>, vector<16xf32>,
      %swap3A_243 = arith.constant 16 : index
      %swap3A_244 = tpu.vector_load %arg6[%swap3A_243] {strides = array<i32>} : memref<32xf32, #tpu.memory_space<vmem>>, vector<16xf32>,
      tpu.vector_store %arg6[%swap3A_243], %broadcast_in_dim3A_4 {strides = array<i32>} : memref<32xf32, #tpu.memory_space<vmem>>, vector<16xf32>,
      %add3A_245 = arith.constant 5 : i32
      %add3A_246 = vector.broadcast %add3A_245 : i32 to vector<16xi32>
      %add3A_247 = arith.addi %iota3A, %add3A_246 : vector<16xi32>
      tpu.vector_store_idx %arg6[%add3A_247], %select_n3A_240 : memref<32xf32, #tpu.memory_space<vmem>>[vector<16xi32>], vector<16xf32>,
      %gather3A_248 = tpu.vector_load_idx %arg6[%add3A_76] : memref<32xf32, #tpu.memory_space<vmem>>[vector<16xi32>], vector<16xf32>,
      %mul3A_249 = arith.mulf %gather3A, %gather3A_248 : vector<16xf32>
      %add3A_250 = arith.addf %get3A_151, %mul3A_249 : vector<16xf32>
      %gather3A_251 = tpu.vector_load_idx %arg6[%add3A_82] : memref<32xf32, #tpu.memory_space<vmem>>[vector<16xi32>], vector<16xf32>,
      %mul3A_252 = arith.mulf %gather3A_126, %gather3A_251 : vector<16xf32>
      %add3A_253 = arith.addf %add3A_250, %mul3A_252 : vector<16xf32>
      %gather3A_254 = tpu.vector_load_idx %arg6[%add3A_88] : memref<32xf32, #tpu.memory_space<vmem>>[vector<16xi32>], vector<16xf32>,
      %mul3A_255 = arith.mulf %gather3A_134, %gather3A_254 : vector<16xf32>
      %add3A_256 = arith.addf %add3A_253, %mul3A_255 : vector<16xf32>
      %gather3A_257 = tpu.vector_load_idx %arg6[%add3A_94] : memref<32xf32, #tpu.memory_space<vmem>>[vector<16xi32>], vector<16xf32>,
      %mul3A_258 = arith.mulf %gather3A_142, %gather3A_257 : vector<16xf32>
      %add3A_259 = arith.addf %add3A_256, %mul3A_258 : vector<16xf32>
      %gather3A_260 = tpu.vector_load_idx %arg6[%add3A_100] : memref<32xf32, #tpu.memory_space<vmem>>[vector<16xi32>], vector<16xf32>,
      %mul3A_261 = arith.mulf %gather3A_150, %gather3A_260 : vector<16xf32>
      %add3A_262 = arith.addf %add3A_259, %mul3A_261 : vector<16xf32>
      %abs3A_263 = math.absf %add3A_262 : vector<16xf32>
      %mul3A_264 = arith.constant -2.000000e+00 : f32
      %mul3A_265 = vector.broadcast %mul3A_264 : f32 to vector<16xf32>
      %mul3A_266 = arith.mulf %mul3A_265, %abs3A_263 : vector<16xf32>
      %exp3A_267 = math.exp %mul3A_266 : vector<16xf32>
      %sign3A_268 = tpu.bitcast %add3A_262 : vector<16xf32> -> vector<16xi32>
      %sign3A_269 = arith.constant -2147483648 : i32
      %sign3A_270 = vector.broadcast %sign3A_269 : i32 to vector<16xi32>
      %sign3A_271 = arith.andi %sign3A_268, %sign3A_270 : vector<16xi32>
      %sign3A_272 = arith.constant 1065353216 : i32
      %sign3A_273 = vector.broadcast %sign3A_272 : i32 to vector<16xi32>
      %sign3A_274 = arith.ori %sign3A_273, %sign3A_271 : vector<16xi32>
      %sign3A_275 = tpu.bitcast %sign3A_274 : vector<16xi32> -> vector<16xf32>
      %sign3A_276 = math.absf %add3A_262 : vector<16xf32>
      %sign3A_277 = arith.constant 0.000000e+00 : f32
      %sign3A_278 = vector.broadcast %sign3A_277 : f32 to vector<16xf32>
      %sign3A_279 = arith.cmpf ogt, %sign3A_276, %sign3A_278 : vector<16xf32>
      %sign3A_280 = arith.select %sign3A_279, %sign3A_275, %add3A_262 : vector<16xi1>, vector<16xf32>
      %sub3A_281 = arith.constant 1.000000e+00 : f32
      %sub3A_282 = vector.broadcast %sub3A_281 : f32 to vector<16xf32>
      %sub3A_283 = arith.subf %sub3A_282, %exp3A_267 : vector<16xf32>
      %mul3A_284 = arith.mulf %sign3A_280, %sub3A_283 : vector<16xf32>
      %add3A_285 = arith.constant 1.000000e+00 : f32
      %add3A_286 = vector.broadcast %add3A_285 : f32 to vector<16xf32>
      %add3A_287 = arith.addf %add3A_286, %exp3A_267 : vector<16xf32>
      %div3A_288 = arith.divf %mul3A_284, %add3A_287 : vector<16xf32>
      %select_n3A_289 = arith.select %lt3A_71, %div3A_288, %add3A_262 : vector<16xi1>, vector<16xf32>
      %ge3A = arith.constant 10 : i32
      %ge3A_290 = vector.broadcast %ge3A : i32 to vector<16xi32>
      %ge3A_291 = arith.cmpi sge, %iota3A, %ge3A_290 : vector<16xi32>
      %sub3A_292 = arith.constant 10 : i32
      %sub3A_293 = vector.broadcast %sub3A_292 : i32 to vector<16xi32>
      %sub3A_294 = arith.subi %iota3A, %sub3A_293 : vector<16xi32>
      %add3A_295 = arith.constant 6 : i32
      %add3A_296 = vector.broadcast %add3A_295 : i32 to vector<16xi32>
      %add3A_297 = arith.addi %iota3A, %add3A_296 : vector<16xi32>
      %select_n3A_298 = arith.select %ge3A_291, %sub3A_294, %add3A_297 : vector<16xi1>, vector<16xi32>
      tpu.vector_store_idx %arg9[%select_n3A_298], %select_n3A_289 : memref<16xf32, #tpu.memory_space<vmem>>[vector<16xi32>], vector<16xf32>,
      "tpu.region"() ({
        %run_scoped3A = tpu.sem_alloc : memref<!tpu.dma_semaphore, #tpu.memory_space<semaphore_mem>>
        %dma_start3A_299 = arith.constant 0 : i32
        %dma_start3A_300 = tpu.memref_slice %arg9[%dma_start3A_299] : memref<16xf32, #tpu.memory_space<vmem>> -> memref<5xf32, #tpu.memory_space<vmem>>
        %dma_start3A_301 = arith.constant 0 : i32
        %dma_start3A_302 = tpu.memref_slice %arg9[%dma_start3A_301] : memref<16xf32, #tpu.memory_space<vmem>> -> memref<5xf32, #tpu.memory_space<vmem>>
        tpu.enqueue_dma source(%dma_start3A_302 : memref<5xf32, #tpu.memory_space<vmem>>) target(%arg5 : memref<5xf32, #tpu.memory_space<hbm>>) target_semaphore(%run_scoped3A : memref<!tpu.dma_semaphore, #tpu.memory_space<semaphore_mem>>)
        %dma_wait3A_303 = arith.constant 0 : i32
        %dma_wait3A_304 = tpu.memref_slice %arg9[%dma_wait3A_303] : memref<16xf32, #tpu.memory_space<vmem>> -> memref<5xf32, #tpu.memory_space<vmem>>
        %dma_wait3A_305 = arith.constant 0 : i32
        %dma_wait3A_306 = tpu.memref_slice %arg9[%dma_wait3A_305] : memref<16xf32, #tpu.memory_space<vmem>> -> memref<5xf32, #tpu.memory_space<vmem>>
        tpu.wait_dma2 semaphore(%run_scoped3A : memref<!tpu.dma_semaphore, #tpu.memory_space<semaphore_mem>>) src(%dma_wait3A_306 : memref<5xf32, #tpu.memory_space<vmem>>) dst(%arg5 : memref<5xf32, #tpu.memory_space<hbm>>)
        tpu.yield
      }) : () -> ()
    } else {
    }
    return
  }
}

</mosaic_0001>

<sc_bundles>
// kernel: kernel.3.cloned.1.call-start
scs
__scs_entry_jumppad:
0x0: {  	(pc) =	sbr.rel $0x88, $3  }
0x1: {  	(tag) =	ssettag $0x0;
	lr =	simm.s32 $0x1  }
0x2: {  	[smem:$0x3F9E] =	sst lr;
	_ =	strace $0xD0000000  }
0x3: {  	_ = 	snop  }
0x4: {  	_ = 	snop  }
0x5: {  	_ = 	snop  }
0x6: {  	_ = 	snop  }
0x7: {  	_ = 	snop  }
__scs_overlays_trampoline_lowered:
0x8: {  	[smem:$0x3FAD] =	sst s0  }
0x9: {  	[smem:$0x3FAE] =	sst s1  }
0xa: {  	[smem:$0x3FAF] =	sst s2  }
0xb: {  	[smem:$0x3FB0] =	sst s3  }
0xc: {  	[smem:$0x3FB1] =	sst s4  }
0xd: {  	[smem:$0x3FB2] =	sst s5  }
0xe: {  	[smem:$0x3FB3] =	sst s6  }
0xf: {  	[smem:$0x3FB4] =	sst s7  }
0x10: {  	[smem:$0x3FB5] =	sst s8  }
0x11: {  	[smem:$0x3FB6] =	sst s9;
	s0 =	simm.s32 @!p0 $0x0  }
0x12: {  	s1 =	sld [smem:$0x3F9C];
	s0 =	simm.s32 @p0 $0x1  }
0x13: {  	[smem:$0x3FB7] =	sst s0;
	s0 =	simm.s32 @!p1 $0x0  }
0x14: {  	s2 =	sld [smem:$0x3F9B];
	s0 =	simm.s32 @p1 $0x1  }
0x15: {  	[smem:$0x3FB8] =	sst s0;
	s0 =	simm.s32 @!p2 $0x0  }
0x16: {  	s3 =	sld [smem:$0x3FDB];
	s0 =	simm.s32 @p2 $0x1  }
0x17: {  	s4 =	simm.s32 $0x1BF5;
	[smem:$0x3FBA] =	sst s0  }
0x18: {  	s0 =	sld [smem:$0x3F9D];
	_ =	swait.ge [sflag:s4], $0x0  }
0x19: {  	s7 =	sld [smem:$0x3F9E]  }
0x1a: {  	s8 =	sadd.s32 $0xFFFFE003, lr  }
0x1b: {  	s9 =	sadd.s32 $0xFFFFFEF7, lr;
	s5 =	simm.s32 $0xFFFFFFFF;
	p2 =	slt.u32 s8, $0xFFFFF086  }
0x1c: {  	p1 =	slt.u32 s9, $0xF7A;
	s5 =	simm.s32 @!p2 $0x0  }
0x1d: {  	s5 =	simm.s32 @p1 $0x1;
	p0 =	seq.s32 s7, s2  }
0x1e: {  	s7 =	smul.u32 @!p0 $0xF7A, s2;
	p2 =	seq.s32 @!p0 s5, $0x0  }
0x1f: {  	s9 =	smul.u32 $0xF7A, s1;
	s8 =	simm.s32 @!p0 $0x1BF5;
	p2 =	por !p2, p0  }
0x20: {  	[sflag:s8] =	ssyncset.s32 @!p0 $0xFFFFF086;
	s6 =	sadd.s32 @!p0 s3, s7;
	s7 =	simm.s32 @!p0 $0x108  }
0x21: {  	s3 =	sadd.s32 s3, s9;
	s6 =	sadd.s32 @!p0 $0x88, s6;
	s7 =	simm.s32 @p2 $0x1082  }
0x22: {  	[simem:s7], [sflag:s8] =	dma.local @!p0 [hbm:s6], $0xF7A  }
0x23: {  	s9 =	sor.u32 $0xD0000000, s2;
	s6 =	simm.s32 $0x108;
	_ =	swait.ge @!p0 [sflag:s8], $0x0  }
0x24: {  	s3 =	sadd.s32 $0x88, s3;
	s6 =	simm.s32 @!p1 $0x1082;
	[sflag:s4] =	ssyncset.s32 $0xFFFFF086  }
0x25: {  	[simem:s6], [sflag:s4] =	dma.local [hbm:s3], $0xF7A  }
0x26: {  	[smem:$0x3F9E] =	sst s1;
	(tag) =	ssettag s2;
	_ =	strace s9  }
0x27: {  	s1 =	sld [smem:$0x3FAE]  }
0x28: {  	s2 =	sld [smem:$0x3FAF]  }
0x29: {  	s4 =	sld [smem:$0x3FB1]  }
0x2a: {  	p0 =	seq.s32 s5, $0x0;
	s5 =	sld [smem:$0x3FB2]  }
0x2b: {  	s6 =	sld [smem:$0x3FB3]  }
0x2c: {  	s7 =	sld [smem:$0x3FB4]  }
0x2d: {  	s3 =	simm.s32 $0x108;
	s8 =	sld [smem:$0x3FB5]  }
0x2e: {  	s3 =	simm.s32 @!p0 $0x1082;
	s9 =	sld [smem:$0x3FB6]  }
0x2f: {  	lr =	sadd.s32 s0, s3;
	s0 =	sld [smem:$0x3FAD]  }
0x30: {  	s3 =	sld [smem:$0x3FB0]  }
0x31: {  	[smem:$0x3FB9] =	sst s10  }
0x32: {  	s10 =	sld [smem:$0x3FB7];
	_ =	sdelay $0x3  }
0x33: {  	p0 =	seq.s32 s10, $0x1;
	s10 =	sld [smem:$0x3FB9];
	_ =	sdelay $0x3  }
0x34: {  	[smem:$0x3FB9] =	sst s10  }
0x35: {  	s10 =	sld [smem:$0x3FB8];
	_ =	sdelay $0x3  }
0x36: {  	p1 =	seq.s32 s10, $0x1;
	s10 =	sld [smem:$0x3FB9];
	_ =	sdelay $0x3  }
0x37: {  	[smem:$0x3FB9] =	sst s10  }
0x38: {  	s10 =	sld [smem:$0x3FBA]  }
0x39: {  	_ = 	snop;
	(pc) =	sbr.ind lr, $3  }
0x3a: {  	_ = 	snop  }
0x3b: {  	_ = 	snop  }
0x3c: {  	p2 =	seq.s32 s10, $0x1;
	s10 =	sld [smem:$0x3FB9]  }
0x3d: {  	_ =	shalt  }
0x3e: {  	_ =	shalt  }
0x3f: {  	_ =	shalt  }
0x40: {  	_ =	shalt  }
0x41: {  	_ =	shalt  }
0x42: {  	_ =	shalt  }
0x43: {  	_ =	shalt  }
0x44: {  	_ =	shalt  }
0x45: {  	_ =	shalt  }
0x46: {  	_ =	shalt  }
0x47: {  	_ =	shalt  }
0x48: {  	_ =	shalt  }
0x49: {  	_ =	shalt  }
0x4a: {  	_ =	shalt  }
0x4b: {  	_ =	shalt  }
0x4c: {  	_ =	shalt  }
0x4d: {  	_ =	shalt  }
0x4e: {  	_ =	shalt  }
0x4f: {  	_ =	shalt  }
0x50: {  	_ =	shalt  }
0x51: {  	_ =	shalt  }
0x52: {  	_ =	shalt  }
0x53: {  	_ =	shalt  }
0x54: {  	_ =	shalt  }
0x55: {  	_ =	shalt  }
0x56: {  	_ =	shalt  }
0x57: {  	_ =	shalt  }
0x58: {  	_ =	shalt  }
0x59: {  	_ =	shalt  }
0x5a: {  	_ =	shalt  }
0x5b: {  	_ =	shalt  }
0x5c: {  	_ =	shalt  }
0x5d: {  	_ =	shalt  }
0x5e: {  	_ =	shalt  }
0x5f: {  	_ =	shalt  }
0x60: {  	_ =	shalt  }
0x61: {  	_ =	shalt  }
0x62: {  	_ =	shalt  }
0x63: {  	_ =	shalt  }
0x64: {  	_ =	shalt  }
0x65: {  	_ =	shalt  }
0x66: {  	_ =	shalt  }
0x67: {  	_ =	shalt  }
0x68: {  	_ =	shalt  }
0x69: {  	_ =	shalt  }
0x6a: {  	_ =	shalt  }
0x6b: {  	_ =	shalt  }
0x6c: {  	_ =	shalt  }
0x6d: {  	_ =	shalt  }
0x6e: {  	_ =	shalt  }
0x6f: {  	_ =	shalt  }
0x70: {  	_ =	shalt  }
0x71: {  	_ =	shalt  }
0x72: {  	_ =	shalt  }
0x73: {  	_ =	shalt  }
0x74: {  	_ =	shalt  }
0x75: {  	_ =	shalt  }
0x76: {  	_ =	shalt  }
0x77: {  	_ =	shalt  }
0x78: {  	_ =	shalt  }
0x79: {  	_ =	shalt  }
0x7a: {  	_ =	shalt  }
0x7b: {  	_ =	shalt  }
0x7c: {  	_ =	shalt  }
0x7d: {  	_ =	shalt  }
0x7e: {  	_ =	shalt  }
0x7f: {  	_ =	shalt  }
0x80: {  	_ =	shalt  }
0x81: {  	_ =	shalt  }
0x82: {  	_ =	shalt  }
0x83: {  	_ =	shalt  }
0x84: {  	_ =	shalt  }
0x85: {  	_ =	shalt  }
0x86: {  	_ =	shalt  }
0x87: {  	_ =	shalt  }
.Lfunc_end0:
.L_simem_size_0:
called_computation_lowered:
.L_overlay_start_0:
0x88: {  	s0 =	sld [smem:$0x3FD9]  }
0x89: {  	s1 =	sld [smem:$0x3FFE];
	_ =	sdelay $0x3  }
0x8a: {  	s0 =	sadd.s32 s1, s0  }
0x8b: {  	[smem:$0x3FC5] =	sst s0  }
0x8c: {  	_ = 	snop  }
0x8d: {  	s0 =	sld [smem:$0x3FC9]  }
0x8e: {  	s17 =	sld [smem:$0x3FC8]  }
0x8f: {  	s2 =	sld [smem:$0x3FC7]  }
0x90: {  	s3 =	sld [smem:$0x3FD0];
	(tm) =	ssettm $0x1  }
0x91: {  	s4 =	sld [smem:$0x3FFB];
	_ =	sdelay $0x3  }
0x92: {  	_ =	strace s4  }
0x93: {  	s4 =	sld [smem:$0x3FFC];
	_ =	sdelay $0x3  }
0x94: {  	_ =	strace s4  }
0x95: {  	s4 =	sld [smem:$0x3FFD];
	_ =	sdelay $0x3  }
0x96: {  	_ =	strace s4  }
0x97: {  	_ =	strace $0x8FFFFFFF  }
0x98: {  	s18 =	sld [smem:$0x3FDB];
	_ =	sdelay $0x1  }
0x99: {  	s5 =	simm.s32 $_scs_section_size  }
0x9a: {  	s6 =	simm.s32 $_size__tile_overlayer_lowered;
	s7 =	simm.s32 $_tile_overlayer_lowered  }
0x9b: {  	s21 =	simm.s32 $0x1BFF;
	s20 =	sshll.u32 s7, $0x1;
	s4 =	sadd.s32 s5, s18  }
0x9c: {  	s8 =	simm.s32 $0x0;
	s19 =	sshll.u32 s6, $0x1;
	s6 =	sadd.s32 s20, s4  }
0x9d: {  	[timem:s8], [sflag:s21] =	dma.local [hbm:s6], s19  }
0x9e: {  	_ =	swait.ge [sflag:s21], s19  }
0x9f: {  	s5 =	ssub.s32 $0x0, s19;
	[sflag:s21] =	ssyncset.done $0x0  }
0xa0: {  	[sflag:s21] =	ssyncadd.s32 s5;
	_ =	sdelay $0x1  }
0xa1: {  	s22 =	simm.s32 $0x1B8B  }
0xa2: {  	_ =	swait.ge [sflag:s22], $0x1  }
0xa3: {  	[sflag:s22] =	ssyncset.done $0x0  }
0xa4: {  	s23 =	simm.s32 $0x1B8E;
	[sflag:s22] =	ssyncadd.s32 $0xFFFFFFFF  }
0xa5: {  	s24 =	simm.s32 $execute0_lowered;
	[smem:$0x3FD2] =	sst s23  }
0xa6: {  	s5 =	sshll.u32 s24, $0x1;
	_ =	strace $0x80000046;
	[dreg:$0x1] =	wrdreg $0xFFFFFFFF  }
0xa7: {  	s25 =	simm.s32 $_size_execute0_lowered;
	s4 =	sadd.s32 s4, s5;
	[dreg:$0x0] =	wrdreg $0x0  }
0xa8: {  	s5 =	sshll.u32 s25, $0x1;
	[dreg:$0x2] =	wrdreg s4  }
0xa9: {  	[dreg:$0x3] =	wrdreg s5  }
0xaa: {  	[dreg:$0x4] =	wrdreg $0xC0  }
0xab: {  	_ =	task [dreg:s8], $0x5FFFF  }
0xac: {  	[dreg:$0x1] =	wrdreg $0xFFFFFFFF  }
0xad: {  	[dreg:$0x0] =	wrdreg $0x60  }
0xae: {  	[dreg:$0x2] =	wrdreg s0  }
0xaf: {  	[dreg:$0x3] =	wrdreg s17  }
0xb0: {  	[dreg:$0x4] =	wrdreg s2  }
0xb1: {  	[dreg:$0x5] =	wrdreg s3  }
0xb2: {  	[dreg:$0x6] =	wrdreg $0x9  }
0xb3: {  	_ =	task.clear_ibuf [dreg:s8], $0x7FFFF;
	_ =	strace $0x90000046  }
0xb4: {  	s26 =	simm.s32 $0x9;
	_ =	strace $0x80000048  }
0xb5: {  	_ =	swait.ge [sflag:s26], $0x1  }
0xb6: {  	[sflag:s26] =	ssyncadd.s32 $0xFFFFFFFF  }
0xb7: {  	_ =	strace $0x90000048  }
0xb8: {  	_ =	sfence  }
0xb9: {  	s28 =	sld [smem:$0x0];
	_ =	sdelay $0x1  }
0xba: {  	s29 =	srdreg.scid  }
0xbb: {  	s30 =	sshll.u32 s29, $0xD;
	s31 =	sshrl.u32 s29, $0x2  }
0xbc: {  	s1 =	sand.u32 $0x1, s29;
	s2 =	sand.u32 $0x4000, s30;
	s0 =	sadd.s32 s31, s28  }
0xbd: {  	s1 =	sor.u32 s2, s1;
	s0 =	sshll.u32 s0, $0x11  }
0xbe: {  	s0 =	sor.u32 s0, s1  }
0xbf: {  	s0 =	sadd.s32 $0x8F2B, s0  }
0xc0: {  	[sflag:s0] =	ssyncadd.remote.s32 $0x1  }
0xc1: {  	_ =	sfence.sel $0xFFFF  }
0xc2: {  	[dreg:$0x0] =	wrdreg $0xFFFFFFFF;
	(pc) =	sbr.abs _section_cstart, $3  }
0xc3: {  	[dreg:$0x1] =	wrdreg $0xFFFFFFFF  }
0xc4: {  	_ =	task.clear_ibuf [dreg:s8], $0x2FFFF;
	_ =	strace $0x9FFFFFFF  }
0xc5: {  	(tm) =	ssettm $0x7FFFFFFF  }
tec
execute0_lowered:
.L_overlay_start_1:
0x0: {  	(tag) =	ssettag $0x1  }
0x1: {  	s2 =	stileid.u32  }
0x2: {  	p0 =	sne.s32 s2, $0x0  }
.Ltmp0:
0x3: {  	s3 =	rddreg [dreg:$0x0];
	(pc) =	sbr.rel @p0 .LBB2_2-.Ltmp0, $4  }
0x4: {  	s5 =	rddreg [dreg:$0x1]  }
0x5: {  	s4 =	rddreg [dreg:$0x2]  }
0x6: {  	s1 =	rddreg [dreg:$0x3]  }
0x7: {  	s0 =	rddreg [dreg:$0x4];
	_ =	strace $0x80000047  }
0x8: {  	v0 =	vimm.s32 $0x43210;
	v63 =	vimm.f32 $0.0e+00;
	vm0 =	vcmask $0x1300  }
0x9: {  	v2 =	vimm.s32 $0x1B1A191C;
	v3 =	vimm.s32 $0x98765;
	v4 =	vimm.s32 $0x33321D34  }
0xa: {  	vm2 =	vcmask $0x2314;
	vm3 =	vcmask $0x3324;
	v18 =	vimm.s32 $0xEDCBA  }
0xb: {  	v19 =	vimm.s32 $0x201F1E21;
	v5 =	vimm.s32 $0x38372239;
	v6 =	vimm.s32 $0x25242326  }
0xc: {  	v7 =	vimm.s32 $0x3D3C273E;
	v21 =	vimm.s32 $0x42412C2B;
	v23 =	vimm.s32 $0x45454443;
	[tilespmem:$0x0] =	vst v63  }
0xd: {  	vm1 =	vcmask $0x3734;
	v24 =	vimm.s32 $0x1211100F;
	v25 =	vimm.s32 $0x2A292813;
	[tilespmem:$0x10] =	vst v63  }
0xe: {  	vm7 =	vcmask $0x1F10;
	v27 =	vimm.s32 $0x47463130;
	v28 =	vimm.s32 $0xA;
	[tilespmem:$0xC0] =	vst v63  }
0xf: {  	s2 =	simm.s32 $0x0;
	vm8 =	vcmask $0x2714;
	v8 =	vimm.s32 $0x4A4A4948;
	v9 =	vimm.s32 $0xB;
	[tilespmem:$0x100] =	vst v63  }
0x10: {  	v10 =	vimm.s32 $0x17161514;
	v1 =	vunpack.c.l.s4.s8 v0;
	v3 =	vunpack.c.l.s4.s8 v3;
	[tilespmem:s2], [sflag:$0x1] =	stream.linear.gather [hbm4b:s3+s2], $0x5, $0x38;
	[tilespmem:$0x200] =	vst v63  }
0x11: {  	s24 =	simm.s32 $0x80;
	v11 =	vimm.s32 $0x2F2E2D18;
	v12 =	vimm.s32 $0xC;
	v30 =	vimm.s32 $0xD  }
0x12: {  	v1 =	vunpack.c.0.s8.s32 v1;
	v17 =	vunpack.c.0.s8.s32 v3;
	v3 =	vunpack.c.l.s4.s8 v18;
	[tilespmem:s24], [sflag:$0x2] =	stream.linear.gather [hbm4b:s5+s2], $0x4B, $0x38;
	[tilespmem:$0x200] =	vst v63  }
0x13: {  	s25 =	simm.s32 $0x100;
	s26 =	simm.s32 $0x2;
	v2 =	vunpack.c.0.s8.s32 v2;
	v4 =	vunpack.c.0.s8.s32 v4;
	v5 =	vunpack.c.0.s8.s32 v5  }
0x14: {  	v6 =	vunpack.c.0.s8.s32 v6;
	v1 =	vnsel vm0, $0x36, v1;
	v3 =	vunpack.c.0.s8.s32 v3;
	[tilespmem:s25], [sflag:$0x3] =	stream.linear.gather [hbm4b:s4+s2], $0xF, $0x38;
	[tilespmem:$0x200] =	vst v63  }
0x15: {  	v20 =	vunpack.c.0.s8.s32 v7;
	v1 =	vsel vm2, v2, v1;
	v2 =	vand.u32 $0xF, v17;
	_ =	swait.ge [sflag:s26], $0x4B  }
0x16: {  	v1 =	vsel vm3, v4, v1;
	v4 =	vunpack.c.0.s8.s32 v19;
	v3 =	vand.u32 $0xF, v3;
	[sflag:s26] =	ssyncset.done $0x0  }
0x17: {  	s28 =	simm.s32 $0x3;
	v7 =	vunpack.c.0.s8.s32 v25;
	v2 =	vnsel vm0, $0x3B, v2;
	v3 =	vnsel vm0, $0x40, v3;
	[sflag:s26] =	ssyncadd.s32 $0xFFFFFFB5  }
0x18: {  	v2 =	vsel vm2, v4, v2;
	v3 =	vsel vm2, v6, v3;
	v6 =	vunpack.c.0.s8.s32 v24;
	_ =	swait.ge [sflag:s28], $0xF  }
0x19: {  	v35 =	vimm.s32 $0xE;
	v1 =	vsel vm1, $0x35, v1;
	v2 =	vsel vm3, v5, v2;
	[sflag:s28] =	ssyncset.done $0x0  }
0x1a: {  	s29 =	simm.s32 $0x1;
	v2 =	vsel vm1, $0x3A, v2;
	v26 =	vsel vm7, v7, v6;
	v7 =	vsel vm0, $0x0, v28;
	[sflag:s28] =	ssyncadd.s32 $0xFFFFFFF1  }
0x1b: {  	v22 =	vunpack.c.0.s8.s32 v21;
	v8 =	vunpack.c.0.s8.s32 v8;
	v7 =	vsel vm8, $0x5, v7;
	_ =	swait.ge [sflag:s29], $0x5  }
0x1c: {  	v9 =	vsel vm0, $0x1, v9;
	v10 =	vunpack.c.0.s8.s32 v10;
	v11 =	vunpack.c.0.s8.s32 v11;
	[sflag:s29] =	ssyncset.done $0x0  }
0x1d: {  	v9 =	vsel vm8, $0x6, v9;
	v3 =	vsel vm3, v20, v3;
	v5 =	vunpack.c.0.s8.s32 v23;
	[sflag:s29] =	ssyncadd.s32 $0xFFFFFFFB  }
0x1e: {  	v12 =	vsel vm0, $0x2, v12;
	v33 =	vsel vm0, $0x3, v30;
	v3 =	vsel vm1, $0x3F, v3;
	v1 =	vld.idx.msk [tilespmem:v1+s24+$0x0], $0xffff  }
0x1f: {  	v29 =	vsel vm8, $0x7, v12;
	v6 =	vunpack.c.0.s8.s32 v27;
	v4 =	vsel vm7, v5, v22;
	v2 =	vld.idx.msk [tilespmem:v2+s24+$0x0], $0xffff  }
0x20: {  	v31 =	vsel vm7, v11, v10;
	v11 =	vsel vm8, $0x8, v33;
	v4 =	vcombine.low v26, v4;
	v32 =	vld.idx.msk [tilespmem:v7+s2+$0x0], $0xffff  }
0x21: {  	v12 =	vsel vm0, $0x4, v35;
	v6 =	vsel vm7, v8, v6;
	v34 =	vld [tilespmem:$0x100]  }
0x22: {  	v12 =	vsel vm8, $0x9, v12;
	v6 =	vcombine.low v31, v6;
	v13 =	vld.idx.msk [tilespmem:v9+s2+$0x0], $0xffff  }
0x23: {  	v3 =	vld.idx.msk [tilespmem:v3+s24+$0x0], $0xffff  }
0x24: {  	v14 =	vld.idx.msk [tilespmem:v29+s2+$0x0], $0xffff  }
0x25: {  	v15 =	vld.idx.msk [tilespmem:v11+s2+$0x0], $0xffff;
	v10 =	vmul.f32 v32, v1  }
0x26: {  	v4 =	vld.idx.msk [tilespmem:v4+s24+$0x0], $0xffff  }
0x27: {  	v16 =	vld.idx.msk [tilespmem:v12+s2+$0x0], $0xffff;
	v13 =	vmul.f32 v13, v2;
	v10 =	vadd.f32 v10, v34  }
0x28: {  	v6 =	vld.idx.msk [tilespmem:v6+s24+$0x0], $0xffff  }
0x29: {  	v36 =	vmul.f32 v14, v3;
	v10 =	vadd.f32 v13, v10;
	_ =	sdelay $0x1  }
0x2a: {  	v37 =	vmul.f32 v15, v4;
	v10 =	vadd.f32 v36, v10;
	_ =	sdelay $0x1  }
0x2b: {  	v38 =	vmul.f32 v16, v6;
	v10 =	vadd.f32 v37, v10;
	_ =	sdelay $0x1  }
0x2c: {  	v10 =	vadd.f32 v38, v10;
	_ =	sdelay $0x1  }
0x2d: {  	v13 =	vand.u32 $0x7FFFFFFF, v10  }
0x2e: {  	v13 =	vmul.f32 $-2.000000000e+00, v13;
	_ =	sdelay $0x1  }
0x2f: {  	v13 =	vmul.f32 $1.442695020e+00, v13;
	_ =	sdelay $0x1  }
0x30: {  	(erf) = vpow2.f32 v13;
	_ =	sdelay $0x8  }
0x31: {  	v13 =	vpop (erf)  }
0x32: {  	v39 =	vadd.f32 $1.000000000e+00, v13;
	_ =	sdelay $0x1  }
0x33: {  	(erf) = vrcp.f32 v39;
	_ =	sdelay $0x2  }
0x34: {  	v41 =	vimm.f32 $1.000000000e+00  }
0x35: {  	v15 =	vand.u32 $0x7FFFFFFF, v41  }
0x36: {  	v40 =	vand.u32 $0x80000000, v10;
	vm9 =	vlt.f32 v10, $0.0e+00;
	vm10 =	vgt.f32 v10, $0.0e+00  }
0x37: {  	v14 =	vor.u32 v40, v15;
	vm0 =	vmor vm10, vm9;
	v13 =	vsub.f32 $1.000000000e+00, v13  }
0x38: {  	v42 =	vlaneseq.u32;
	v14 =	vsel vm0, v14, v10  }
0x39: {  	v43 =	vadd.s32 $0x5, v42;
	v13 =	vmul.f32 v13, v14  }
0x3a: {  	v44 =	vpop (erf)  }
0x3b: {  	v13 =	vmul.f32 v44, v13  }
0x3c: {  	vm11 =	vmmov $0x3ff;
	[tilespmem:$0x0] =	vst v63  }
0x3d: {  	[tilespmem:$0x10] =	vst v63;
	v10 =	vsel vm11, v13, v10  }
0x3e: {  	[tilespmem:v43+s2+$0x0] =	vst.idx.msk $0xffff, v10  }
0x3f: {  	v10 =	vld.idx.msk [tilespmem:v7+s2+$0x0], $0xffff;
	_ =	sdelay $0x1  }
0x40: {  	v45 =	vld.idx.msk [tilespmem:v9+s2+$0x0], $0xffff;
	_ =	sdelay $0x1  }
0x41: {  	v46 =	vld.idx.msk [tilespmem:v29+s2+$0x0], $0xffff  }
0x42: {  	v10 =	vmul.f32 v10, v1  }
0x43: {  	v17 =	vld.idx.msk [tilespmem:v11+s2+$0x0], $0xffff  }
0x44: {  	v13 =	vmul.f32 v45, v2;
	v10 =	vadd.f32 v10, v34  }
0x45: {  	v18 =	vld.idx.msk [tilespmem:v12+s2+$0x0], $0xffff  }
0x46: {  	v47 =	vmul.f32 v46, v3;
	v10 =	vadd.f32 v13, v10;
	_ =	sdelay $0x1  }
0x47: {  	v48 =	vmul.f32 v17, v4;
	v10 =	vadd.f32 v47, v10;
	_ =	sdelay $0x1  }
0x48: {  	v49 =	vmul.f32 v18, v6;
	v10 =	vadd.f32 v48, v10;
	_ =	sdelay $0x1  }
0x49: {  	v10 =	vadd.f32 v49, v10;
	_ =	sdelay $0x1  }
0x4a: {  	v13 =	vand.u32 $0x7FFFFFFF, v10  }
0x4b: {  	v13 =	vmul.f32 $-2.000000000e+00, v13;
	_ =	sdelay $0x1  }
0x4c: {  	v13 =	vmul.f32 $1.442695020e+00, v13;
	_ =	sdelay $0x1  }
0x4d: {  	(erf) = vpow2.f32 v13;
	_ =	sdelay $0x8  }
0x4e: {  	v13 =	vpop (erf)  }
0x4f: {  	v50 =	vadd.f32 $1.000000000e+00, v13;
	_ =	sdelay $0x1  }
0x50: {  	(erf) = vrcp.f32 v50;
	_ =	sdelay $0x4  }
0x51: {  	v51 =	vand.u32 $0x80000000, v10;
	vm12 =	vlt.f32 v10, $0.0e+00;
	vm13 =	vgt.f32 v10, $0.0e+00  }
0x52: {  	v16 =	vor.u32 v51, v15;
	vm1 =	vmor vm13, vm12;
	v13 =	vsub.f32 $1.000000000e+00, v13  }
0x53: {  	v16 =	vsel vm1, v16, v10  }
0x54: {  	v13 =	vmul.f32 v13, v16  }
0x55: {  	v52 =	vpop (erf)  }
0x56: {  	v13 =	vmul.f32 v52, v13  }
0x57: {  	[tilespmem:$0x0] =	vst v63  }
0x58: {  	[tilespmem:$0x10] =	vst v63;
	v10 =	vsel vm11, v13, v10  }
0x59: {  	[tilespmem:v43+s2+$0x0] =	vst.idx.msk $0xffff, v10  }
0x5a: {  	v0 =	vld.idx.msk [tilespmem:v7+s2+$0x0], $0xffff;
	_ =	sdelay $0x1  }
0x5b: {  	v53 =	vld.idx.msk [tilespmem:v9+s2+$0x0], $0xffff;
	_ =	sdelay $0x1  }
0x5c: {  	v5 =	vld.idx.msk [tilespmem:v29+s2+$0x0], $0xffff  }
0x5d: {  	v0 =	vmul.f32 v0, v1  }
0x5e: {  	v54 =	vld.idx.msk [tilespmem:v11+s2+$0x0], $0xffff  }
0x5f: {  	v2 =	vmul.f32 v53, v2;
	v0 =	vadd.f32 v0, v34  }
0x60: {  	v55 =	vld.idx.msk [tilespmem:v12+s2+$0x0], $0xffff  }
0x61: {  	v56 =	vmul.f32 v5, v3;
	v0 =	vadd.f32 v2, v0;
	_ =	sdelay $0x1  }
0x62: {  	v1 =	vmul.f32 v54, v4;
	v0 =	vadd.f32 v56, v0;
	_ =	sdelay $0x1  }
0x63: {  	v57 =	vmul.f32 v55, v6;
	v0 =	vadd.f32 v1, v0;
	_ =	sdelay $0x1  }
0x64: {  	v0 =	vadd.f32 v57, v0;
	_ =	sdelay $0x1  }
0x65: {  	v1 =	vand.u32 $0x7FFFFFFF, v0  }
0x66: {  	v1 =	vmul.f32 $-2.000000000e+00, v1;
	_ =	sdelay $0x1  }
0x67: {  	v1 =	vmul.f32 $1.442695020e+00, v1;
	_ =	sdelay $0x1  }
0x68: {  	(erf) = vpow2.f32 v1;
	_ =	sdelay $0x8  }
0x69: {  	v1 =	vpop (erf)  }
0x6a: {  	v58 =	vadd.f32 $1.000000000e+00, v1  }
0x6b: {  	v59 =	vimm.s32 $0x543210FE;
	v60 =	vimm.s32 $0xDCBA9876  }
0x6c: {  	v3 =	vunpack.c.l.s4.s8 v60;
	v2 =	vunpack.c.l.s4.s8 v59;
	(erf) = vrcp.f32 v58;
	_ =	sdelay $0x1  }
0x6d: {  	v3 =	vunpack.c.0.s8.s32 v3;
	v2 =	vunpack.c.0.s8.s32 v2;
	_ =	sdelay $0x1  }
0x6e: {  	v2 =	vcombine.low v3, v2  }
0x6f: {  	v61 =	vand.u32 $0x80000000, v0;
	vm14 =	vlt.f32 v0, $0.0e+00;
	vm15 =	vgt.f32 v0, $0.0e+00  }
0x70: {  	v4 =	vor.u32 v61, v15;
	vm1 =	vmor vm15, vm14;
	v1 =	vsub.f32 $1.000000000e+00, v1  }
0x71: {  	v62 =	vsel vm1, v4, v0  }
0x72: {  	v2 =	vand.u32 $0xF, v2;
	v1 =	vmul.f32 v1, v62  }
0x73: {  	v63 =	vpop (erf)  }
0x74: {  	v1 =	vmul.f32 v63, v1;
	_ =	sdelay $0x1  }
0x75: {  	s30 =	simm.s32 $0x180;
	v0 =	vsel vm11, v1, v0  }
0x76: {  	s31 =	simm.s32 $0x4;
	[tilespmem:v2+s30+$0x0] =	vst.idx.msk $0xffff, v0  }
0x77: {  	[hbm4b:s1+s2] =	stream.linear.scatter [tilespmem:s30], [sflag:$0x4], $0x5, $0x38;
	[tilespmem:$0x200] =	vst v63  }
0x78: {  	_ =	swait.ge [sflag:s31], $0x5  }
0x79: {  	[sflag:s31] =	ssyncset.done $0x0  }
0x7a: {  	[sflag:s31] =	ssyncadd.s32 $0xFFFFFFFB  }
.LBB2_2:
0x7b: {  	_ =	sfence.sel $0x180000  }
0x7c: {  	[bflag:$0x0] =	sbarrier.arrive $0xFFFF  }
0x7d: {  	_ =	strace $0x90000047  }
0x7e: {  	s0 =	sadd.s32 @!p0 $0x100000, s0;
	[bflag:$0x2] =	sbarrier.arrive $0xFFFF  }
0x7f: {  	[sflag:s0] =	ssyncadd.tile.s32 @!p0 $0x1;
	_ =	shalt  }
.Lfunc_end2:
_tile_overlayer_lowered:
.L_overlay_start_2:
0x80: {  	(tag) =	ssettag $0x2  }
0x81: {  	s0 =	rddreg [dreg:$0x0];
	s2 =	stileid.u32  }
0x82: {  	s1 =	rddreg [dreg:$0x1];
	p0 =	sne.s32 s2, $0x0  }
0x83: {  	s3 =	rddreg [dreg:$0x2];
	[bflag:$0x3] =	sbarrier.arrive $0xFFFF;
	s2 =	simm.s32 @!p0 $0x1C04  }
0x84: {  	[timem:s3], [sflag:s2] =	dma.local @!p0 [hbm:s0], s1  }
0x85: {  	s0 =	simm.s32 @!p0 $0x4  }
0x86: {  	_ =	swait.ge @!p0 [sflag:s0], s1  }
0x87: {  	s1 =	ssub.s32 @!p0 $0x0, s1;
	[sflag:s0] =	ssyncset.done @!p0 $0x0  }
0x88: {  	[sflag:s0] =	ssyncadd.s32 @!p0 s1  }
0x89: {  	[bflag:$0x3] =	sbarrier.arrive $0xFFFF  }
0x8a: {  	_ =	shalt  }

</sc_bundles>
